<compile_context>
chip_gen: v7x
topology: tpu7x:2x2x1
jax: 0.10.2.dev20260603
libtpu: 0.0.44.dev20260713+nightly
codegen_flags: <defaults>
</compile_context>

<pallas_src>
import functools

import jax
import jax.numpy as jnp
from jax import lax
from jax.experimental import pallas as pl
from jax.experimental.pallas import tpu as pltpu, tpu_sc as plsc

_Q = 16384
_K = 256
_D = 128
_NST = 2
_TH = 2048
_GRID = _Q // (_NST * _TH)

_CHUNK = 128


def _half(s, q, t):
    scores = jax.lax.dot_general(
        s, q, (((1,), (1,)), ((), ())), preferred_element_type=jnp.float32
    )
    iota = jax.lax.broadcasted_iota(jnp.int32, scores.shape, 0)
    m = jnp.max(scores, axis=0, keepdims=True)
    preds = jnp.min(jnp.where(scores == m, iota, _K), axis=0, keepdims=True)
    correct = preds == t
    lse = jnp.log(jnp.sum(jnp.exp(scores), axis=0, keepdims=True))
    return correct, jnp.sum(lse)


def _head_kernel(*refs):
    q_refs = refs[:_NST]
    s_ref = refs[_NST]
    t_refs = refs[_NST + 1:2 * _NST + 1]
    c_ref = refs[2 * _NST + 1]
    lse_ref = refs[2 * _NST + 2]
    i = pl.program_id(0)
    s = s_ref[...]
    lse_sum = None
    for j, (q_ref, t_ref) in enumerate(zip(q_refs, t_refs)):
        c, n = _half(s, q_ref[...], t_ref[0, :, :])
        c_ref[j, :, :] = c
        lse_sum = n if lse_sum is None else lse_sum + n
    prev = jnp.where(i == 0, jnp.zeros_like(lse_ref[...]), lse_ref[...])
    lse_ref[...] = prev + lse_sum


def _qspec(j):
    return pl.BlockSpec((_TH, _D), lambda i, j=j: (_NST * i + j, 0))


def _tspec(j):
    return pl.BlockSpec((1, 1, _TH), lambda i, j=j: (_NST * i + j, 0, 0))


_info = plsc.get_sparse_core_info()
_NC = _info.num_cores
_NS = _info.num_subcores
_NW = _NC * _NS
_BPW = _Q // _NW


def _make_segsum():
    mesh = plsc.VectorSubcoreMesh(core_axis_name="c", subcore_axis_name="s")

    @functools.partial(
        pl.kernel, mesh=mesh,
        out_type=jax.ShapeDtypeStruct((_NC, _K, _D), jnp.float32),
        scratch_types=[
            pltpu.VMEM((_CHUNK,), jnp.int32),
            pltpu.VMEM((_CHUNK, _D), jnp.float32),
            pltpu.VMEM_SHARED((_K, _D), jnp.float32),
        ],
    )
    def segsum(q_hbm, t_hbm, zero_hbm, out_hbm, idx_v, rows_v, agg_s):
        cid = lax.axis_index("c")
        sid = lax.axis_index("s")
        wid = sid * _NC + cid

        @pl.when(sid == 0)
        def _():
            pltpu.sync_copy(zero_hbm, agg_s)

        plsc.subcore_barrier()
        for ch in range(_BPW // _CHUNK):
            base = wid * _BPW + ch * _CHUNK
            pltpu.sync_copy(t_hbm.at[pl.ds(base, _CHUNK)], idx_v)
            pltpu.sync_copy(q_hbm.at[pl.ds(base, _CHUNK)], rows_v)
            pltpu.sync_copy(rows_v, agg_s.at[idx_v], add=True)
        plsc.subcore_barrier()

        @pl.when(sid == 0)
        def _():
            pltpu.sync_copy(agg_s, out_hbm.at[cid])

    return segsum


_segsum = _make_segsum()


@jax.jit
def kernel(query_reps, support_reps, target_ids):
    t32 = target_ids.astype(jnp.int32)
    targets = t32.reshape(_NST * _GRID, 1, _TH)
    agg2 = _segsum(query_reps, t32, jnp.zeros((_K, _D), jnp.float32))
    correct, lse_sum = pl.pallas_call(
        _head_kernel,
        grid=(_GRID,),
        in_specs=(
            [_qspec(j) for j in range(_NST)]
            + [pl.BlockSpec((_K, _D), lambda i: (0, 0))]
            + [_tspec(j) for j in range(_NST)]
        ),
        out_specs=[
            pl.BlockSpec((_NST, 1, _TH), lambda i: (i, 0, 0)),
            pl.BlockSpec((1, 128), lambda i: (0, 0)),
        ],
        out_shape=[
            jax.ShapeDtypeStruct((_NST * _GRID, 1, _TH), jnp.bool_),
            jax.ShapeDtypeStruct((1, 128), jnp.float32),
        ],
    )(*([query_reps] * _NST), support_reps, *([targets] * _NST))
    tgt_total = jnp.sum((agg2[0] + agg2[1]) * support_reps)
    loss = (lse_sum[0, 0] - tgt_total) / _Q
    return (loss, correct.reshape(_Q))

# --- scband reference (transcript-rebuilt; emitter-appended) ---
"""Pipeline reference for scband-cbertproto-73504070304233 (READ-ONLY COPY).

The authoritative reference and input builder live on the scoring server;
editing this copy changes nothing except your own understanding.
"""

import jax, jax.numpy as jnp
import numpy as np

Q = 16384
K = 256
D = 128

def setup_inputs(seed: int = 0) -> dict:
    key = jax.random.key(seed)
    k1, k2, k3 = jax.random.split(key, 3)
    query_reps = jax.random.normal(k1, (Q, D), dtype=jnp.float32)
    support_reps = jax.random.normal(k2, (K, D), dtype=jnp.float32)
    target_ids = jax.random.randint(k3, (Q,), 0, K).astype(jnp.int64)
    return {"query_reps": query_reps, "support_reps": support_reps, "target_ids": target_ids}

def reference(query_reps, support_reps, target_ids):
    # CBERTProto prototype-matching head (dist == 'dot'):
    # scores = query_reps @ support_reps.T ; preds = argmax ; loss = cross_entropy
    scores = query_reps @ support_reps.T
    preds = jnp.argmax(scores, axis=1)
    log_probs = jax.nn.log_softmax(scores, axis=1)
    nll = -jnp.take_along_axis(log_probs, target_ids[:, None], axis=1)[:, 0]
    loss = jnp.mean(nll)
    correct = (preds == target_ids)
    return (loss, correct)

if __name__ == "__main__":
    import jax
    _d = setup_inputs()
    print(jax.jit(kernel)(*tuple(_d.values())))

</pallas_src>

<mosaic_0001>
#map = affine_map<(d0, d1) -> (0, 0)>
#map1 = affine_map<(d0, d1) -> (0)>
#map2 = affine_map<(d0, d1) -> (0, 0, 0)>
module attributes {stable_mosaic.version = 14 : i64} {
  func.func @segsum(%arg0: i32, %arg1: i32, %arg2: memref<16384x128xf32, #tpu.memory_space<hbm>>, %arg3: memref<16384xi32, #tpu.memory_space<hbm>>, %arg4: memref<256x128xf32, #tpu.memory_space<hbm>>, %arg5: memref<2x256x128xf32, #tpu.memory_space<hbm>>, %arg6: memref<128xi32, #tpu.memory_space<vmem>>, %arg7: memref<128x128xf32, #tpu.memory_space<vmem>>, %arg8: memref<256x128xf32, #tpu.memory_space<vmem_shared>>) attributes {dimension_semantics = [#tpu.dimension_semantics<core_parallel>, #tpu.dimension_semantics<subcore_parallel>], iteration_bounds = array<i64: 2, 16>, scalar_prefetch = 0 : i64, scratch_operands = 3 : i64, tpu.core_type = #tpu.core_type<sc_vector_subcore>, window_params = [{transform_indices = #map}, {transform_indices = #map1}, {transform_indices = #map}, {transform_indices = #map2}]} {
    %mul3A = arith.constant 2 : i32
    %mul3A_0 = arith.muli %arg1, %mul3A : i32
    %add3A = arith.addi %mul3A_0, %arg0 : i32
    %eq3A = arith.constant 0 : i32
    %eq3A_1 = arith.cmpi eq, %arg1, %eq3A : i32
    %convert_element_type3A = arith.extui %eq3A_1 : i1 to i32
    %cond3A = arith.constant 0 : i32
    %cond3A_2 = arith.cmpi ne, %convert_element_type3A, %cond3A : i32
    scf.if %cond3A_2 {
      "tpu.region"() ({
        %run_scoped3A = tpu.sem_alloc : memref<!tpu.dma_semaphore, #tpu.memory_space<semaphore_mem>>
        tpu.enqueue_dma source(%arg4 : memref<256x128xf32, #tpu.memory_space<hbm>>) target(%arg8 : memref<256x128xf32, #tpu.memory_space<vmem_shared>>) target_semaphore(%run_scoped3A : memref<!tpu.dma_semaphore, #tpu.memory_space<semaphore_mem>>)
        tpu.wait_dma2 semaphore(%run_scoped3A : memref<!tpu.dma_semaphore, #tpu.memory_space<semaphore_mem>>) src(%arg4 : memref<256x128xf32, #tpu.memory_space<hbm>>) dst(%arg8 : memref<256x128xf32, #tpu.memory_space<vmem_shared>>)
        tpu.yield
      }) : () -> ()
    } else {
    }
    %barrier3A = arith.constant 0 : index
    tpu.barrier barrier_id(%barrier3A)
    %mul3A_3 = arith.constant 512 : i32
    %mul3A_4 = arith.muli %add3A, %mul3A_3 : i32
    %add3A_5 = arith.constant 0 : i32
    %add3A_6 = arith.addi %mul3A_4, %add3A_5 : i32
    "tpu.region"() ({
      %run_scoped3A = tpu.sem_alloc : memref<!tpu.dma_semaphore, #tpu.memory_space<semaphore_mem>>
      %dma_start3A = tpu.memref_slice %arg3[%add3A_6] : memref<16384xi32, #tpu.memory_space<hbm>> -> memref<128xi32, #tpu.memory_space<hbm>>
      %dma_start3A_25 = tpu.memref_slice %arg3[%add3A_6] : memref<16384xi32, #tpu.memory_space<hbm>> -> memref<128xi32, #tpu.memory_space<hbm>>
      tpu.enqueue_dma source(%dma_start3A_25 : memref<128xi32, #tpu.memory_space<hbm>>) target(%arg6 : memref<128xi32, #tpu.memory_space<vmem>>) target_semaphore(%run_scoped3A : memref<!tpu.dma_semaphore, #tpu.memory_space<semaphore_mem>>)
      %dma_wait3A = tpu.memref_slice %arg3[%add3A_6] : memref<16384xi32, #tpu.memory_space<hbm>> -> memref<128xi32, #tpu.memory_space<hbm>>
      %dma_wait3A_26 = tpu.memref_slice %arg3[%add3A_6] : memref<16384xi32, #tpu.memory_space<hbm>> -> memref<128xi32, #tpu.memory_space<hbm>>
      tpu.wait_dma2 semaphore(%run_scoped3A : memref<!tpu.dma_semaphore, #tpu.memory_space<semaphore_mem>>) src(%dma_wait3A_26 : memref<128xi32, #tpu.memory_space<hbm>>) dst(%arg6 : memref<128xi32, #tpu.memory_space<vmem>>)
      tpu.yield
    }) : () -> ()
    "tpu.region"() ({
      %run_scoped3A = tpu.sem_alloc : memref<!tpu.dma_semaphore, #tpu.memory_space<semaphore_mem>>
      %dma_start3A = arith.constant 0 : i32
      %dma_start3A_25 = tpu.memref_slice %arg2[%add3A_6, %dma_start3A] : memref<16384x128xf32, #tpu.memory_space<hbm>> -> memref<128x128xf32, #tpu.memory_space<hbm>>
      %dma_start3A_26 = arith.constant 0 : i32
      %dma_start3A_27 = tpu.memref_slice %arg2[%add3A_6, %dma_start3A_26] : memref<16384x128xf32, #tpu.memory_space<hbm>> -> memref<128x128xf32, #tpu.memory_space<hbm>>
      tpu.enqueue_dma source(%dma_start3A_27 : memref<128x128xf32, #tpu.memory_space<hbm>>) target(%arg7 : memref<128x128xf32, #tpu.memory_space<vmem>>) target_semaphore(%run_scoped3A : memref<!tpu.dma_semaphore, #tpu.memory_space<semaphore_mem>>)
      %dma_wait3A = arith.constant 0 : i32
      %dma_wait3A_28 = tpu.memref_slice %arg2[%add3A_6, %dma_wait3A] : memref<16384x128xf32, #tpu.memory_space<hbm>> -> memref<128x128xf32, #tpu.memory_space<hbm>>
      %dma_wait3A_29 = arith.constant 0 : i32
      %dma_wait3A_30 = tpu.memref_slice %arg2[%add3A_6, %dma_wait3A_29] : memref<16384x128xf32, #tpu.memory_space<hbm>> -> memref<128x128xf32, #tpu.memory_space<hbm>>
      tpu.wait_dma2 semaphore(%run_scoped3A : memref<!tpu.dma_semaphore, #tpu.memory_space<semaphore_mem>>) src(%dma_wait3A_30 : memref<128x128xf32, #tpu.memory_space<hbm>>) dst(%arg7 : memref<128x128xf32, #tpu.memory_space<vmem>>)
      tpu.yield
    }) : () -> ()
    "tpu.region"() ({
      %run_scoped3A = tpu.sem_alloc : memref<!tpu.dma_semaphore, #tpu.memory_space<semaphore_mem>>
      %dma_start3A = arith.constant 0 : i32
      %dma_start3A_25 = arith.constant 0 : i32
      %dma_start3A_26 = tpu.memref_slice %arg8[%dma_start3A, %dma_start3A_25] : memref<256x128xf32, #tpu.memory_space<vmem_shared>> -> memref<256x128xf32, #tpu.memory_space<vmem_shared>>
      tpu.enqueue_indirect_dma source(%arg7 : memref<128x128xf32, #tpu.memory_space<vmem>>) target(%dma_start3A_26 : memref<256x128xf32, #tpu.memory_space<vmem_shared>>) offsets(%arg6 : memref<128xi32, #tpu.memory_space<vmem>>) semaphore(%run_scoped3A : memref<!tpu.dma_semaphore, #tpu.memory_space<semaphore_mem>>) {add = true}
      %dma_wait3A = arith.constant 0 : i32
      %dma_wait3A_27 = arith.constant 0 : i32
      %dma_wait3A_28 = tpu.memref_slice %arg8[%dma_wait3A, %dma_wait3A_27] : memref<256x128xf32, #tpu.memory_space<vmem_shared>> -> memref<256x128xf32, #tpu.memory_space<vmem_shared>>
      tpu.wait_indirect_dma semaphore(%run_scoped3A : memref<!tpu.dma_semaphore, #tpu.memory_space<semaphore_mem>>) src(%arg7 : memref<128x128xf32, #tpu.memory_space<vmem>>) dst(%dma_wait3A_28 : memref<256x128xf32, #tpu.memory_space<vmem_shared>>)
      tpu.yield
    }) : () -> ()
    %mul3A_7 = arith.constant 512 : i32
    %mul3A_8 = arith.muli %add3A, %mul3A_7 : i32
    %add3A_9 = arith.constant 128 : i32
    %add3A_10 = arith.addi %mul3A_8, %add3A_9 : i32
    "tpu.region"() ({
      %run_scoped3A = tpu.sem_alloc : memref<!tpu.dma_semaphore, #tpu.memory_space<semaphore_mem>>
      %dma_start3A = tpu.memref_slice %arg3[%add3A_10] : memref<16384xi32, #tpu.memory_space<hbm>> -> memref<128xi32, #tpu.memory_space<hbm>>
      %dma_start3A_25 = tpu.memref_slice %arg3[%add3A_10] : memref<16384xi32, #tpu.memory_space<hbm>> -> memref<128xi32, #tpu.memory_space<hbm>>
      tpu.enqueue_dma source(%dma_start3A_25 : memref<128xi32, #tpu.memory_space<hbm>>) target(%arg6 : memref<128xi32, #tpu.memory_space<vmem>>) target_semaphore(%run_scoped3A : memref<!tpu.dma_semaphore, #tpu.memory_space<semaphore_mem>>)
      %dma_wait3A = tpu.memref_slice %arg3[%add3A_10] : memref<16384xi32, #tpu.memory_space<hbm>> -> memref<128xi32, #tpu.memory_space<hbm>>
      %dma_wait3A_26 = tpu.memref_slice %arg3[%add3A_10] : memref<16384xi32, #tpu.memory_space<hbm>> -> memref<128xi32, #tpu.memory_space<hbm>>
      tpu.wait_dma2 semaphore(%run_scoped3A : memref<!tpu.dma_semaphore, #tpu.memory_space<semaphore_mem>>) src(%dma_wait3A_26 : memref<128xi32, #tpu.memory_space<hbm>>) dst(%arg6 : memref<128xi32, #tpu.memory_space<vmem>>)
      tpu.yield
    }) : () -> ()
    "tpu.region"() ({
      %run_scoped3A = tpu.sem_alloc : memref<!tpu.dma_semaphore, #tpu.memory_space<semaphore_mem>>
      %dma_start3A = arith.constant 0 : i32
      %dma_start3A_25 = tpu.memref_slice %arg2[%add3A_10, %dma_start3A] : memref<16384x128xf32, #tpu.memory_space<hbm>> -> memref<128x128xf32, #tpu.memory_space<hbm>>
      %dma_start3A_26 = arith.constant 0 : i32
      %dma_start3A_27 = tpu.memref_slice %arg2[%add3A_10, %dma_start3A_26] : memref<16384x128xf32, #tpu.memory_space<hbm>> -> memref<128x128xf32, #tpu.memory_space<hbm>>
      tpu.enqueue_dma source(%dma_start3A_27 : memref<128x128xf32, #tpu.memory_space<hbm>>) target(%arg7 : memref<128x128xf32, #tpu.memory_space<vmem>>) target_semaphore(%run_scoped3A : memref<!tpu.dma_semaphore, #tpu.memory_space<semaphore_mem>>)
      %dma_wait3A = arith.constant 0 : i32
      %dma_wait3A_28 = tpu.memref_slice %arg2[%add3A_10, %dma_wait3A] : memref<16384x128xf32, #tpu.memory_space<hbm>> -> memref<128x128xf32, #tpu.memory_space<hbm>>
      %dma_wait3A_29 = arith.constant 0 : i32
      %dma_wait3A_30 = tpu.memref_slice %arg2[%add3A_10, %dma_wait3A_29] : memref<16384x128xf32, #tpu.memory_space<hbm>> -> memref<128x128xf32, #tpu.memory_space<hbm>>
      tpu.wait_dma2 semaphore(%run_scoped3A : memref<!tpu.dma_semaphore, #tpu.memory_space<semaphore_mem>>) src(%dma_wait3A_30 : memref<128x128xf32, #tpu.memory_space<hbm>>) dst(%arg7 : memref<128x128xf32, #tpu.memory_space<vmem>>)
      tpu.yield
    }) : () -> ()
    "tpu.region"() ({
      %run_scoped3A = tpu.sem_alloc : memref<!tpu.dma_semaphore, #tpu.memory_space<semaphore_mem>>
      %dma_start3A = arith.constant 0 : i32
      %dma_start3A_25 = arith.constant 0 : i32
      %dma_start3A_26 = tpu.memref_slice %arg8[%dma_start3A, %dma_start3A_25] : memref<256x128xf32, #tpu.memory_space<vmem_shared>> -> memref<256x128xf32, #tpu.memory_space<vmem_shared>>
      tpu.enqueue_indirect_dma source(%arg7 : memref<128x128xf32, #tpu.memory_space<vmem>>) target(%dma_start3A_26 : memref<256x128xf32, #tpu.memory_space<vmem_shared>>) offsets(%arg6 : memref<128xi32, #tpu.memory_space<vmem>>) semaphore(%run_scoped3A : memref<!tpu.dma_semaphore, #tpu.memory_space<semaphore_mem>>) {add = true}
      %dma_wait3A = arith.constant 0 : i32
      %dma_wait3A_27 = arith.constant 0 : i32
      %dma_wait3A_28 = tpu.memref_slice %arg8[%dma_wait3A, %dma_wait3A_27] : memref<256x128xf32, #tpu.memory_space<vmem_shared>> -> memref<256x128xf32, #tpu.memory_space<vmem_shared>>
      tpu.wait_indirect_dma semaphore(%run_scoped3A : memref<!tpu.dma_semaphore, #tpu.memory_space<semaphore_mem>>) src(%arg7 : memref<128x128xf32, #tpu.memory_space<vmem>>) dst(%dma_wait3A_28 : memref<256x128xf32, #tpu.memory_space<vmem_shared>>)
      tpu.yield
    }) : () -> ()
    %mul3A_11 = arith.constant 512 : i32
    %mul3A_12 = arith.muli %add3A, %mul3A_11 : i32
    %add3A_13 = arith.constant 256 : i32
    %add3A_14 = arith.addi %mul3A_12, %add3A_13 : i32
    "tpu.region"() ({
      %run_scoped3A = tpu.sem_alloc : memref<!tpu.dma_semaphore, #tpu.memory_space<semaphore_mem>>
      %dma_start3A = tpu.memref_slice %arg3[%add3A_14] : memref<16384xi32, #tpu.memory_space<hbm>> -> memref<128xi32, #tpu.memory_space<hbm>>
      %dma_start3A_25 = tpu.memref_slice %arg3[%add3A_14] : memref<16384xi32, #tpu.memory_space<hbm>> -> memref<128xi32, #tpu.memory_space<hbm>>
      tpu.enqueue_dma source(%dma_start3A_25 : memref<128xi32, #tpu.memory_space<hbm>>) target(%arg6 : memref<128xi32, #tpu.memory_space<vmem>>) target_semaphore(%run_scoped3A : memref<!tpu.dma_semaphore, #tpu.memory_space<semaphore_mem>>)
      %dma_wait3A = tpu.memref_slice %arg3[%add3A_14] : memref<16384xi32, #tpu.memory_space<hbm>> -> memref<128xi32, #tpu.memory_space<hbm>>
      %dma_wait3A_26 = tpu.memref_slice %arg3[%add3A_14] : memref<16384xi32, #tpu.memory_space<hbm>> -> memref<128xi32, #tpu.memory_space<hbm>>
      tpu.wait_dma2 semaphore(%run_scoped3A : memref<!tpu.dma_semaphore, #tpu.memory_space<semaphore_mem>>) src(%dma_wait3A_26 : memref<128xi32, #tpu.memory_space<hbm>>) dst(%arg6 : memref<128xi32, #tpu.memory_space<vmem>>)
      tpu.yield
    }) : () -> ()
    "tpu.region"() ({
      %run_scoped3A = tpu.sem_alloc : memref<!tpu.dma_semaphore, #tpu.memory_space<semaphore_mem>>
      %dma_start3A = arith.constant 0 : i32
      %dma_start3A_25 = tpu.memref_slice %arg2[%add3A_14, %dma_start3A] : memref<16384x128xf32, #tpu.memory_space<hbm>> -> memref<128x128xf32, #tpu.memory_space<hbm>>
      %dma_start3A_26 = arith.constant 0 : i32
      %dma_start3A_27 = tpu.memref_slice %arg2[%add3A_14, %dma_start3A_26] : memref<16384x128xf32, #tpu.memory_space<hbm>> -> memref<128x128xf32, #tpu.memory_space<hbm>>
      tpu.enqueue_dma source(%dma_start3A_27 : memref<128x128xf32, #tpu.memory_space<hbm>>) target(%arg7 : memref<128x128xf32, #tpu.memory_space<vmem>>) target_semaphore(%run_scoped3A : memref<!tpu.dma_semaphore, #tpu.memory_space<semaphore_mem>>)
      %dma_wait3A = arith.constant 0 : i32
      %dma_wait3A_28 = tpu.memref_slice %arg2[%add3A_14, %dma_wait3A] : memref<16384x128xf32, #tpu.memory_space<hbm>> -> memref<128x128xf32, #tpu.memory_space<hbm>>
      %dma_wait3A_29 = arith.constant 0 : i32
      %dma_wait3A_30 = tpu.memref_slice %arg2[%add3A_14, %dma_wait3A_29] : memref<16384x128xf32, #tpu.memory_space<hbm>> -> memref<128x128xf32, #tpu.memory_space<hbm>>
      tpu.wait_dma2 semaphore(%run_scoped3A : memref<!tpu.dma_semaphore, #tpu.memory_space<semaphore_mem>>) src(%dma_wait3A_30 : memref<128x128xf32, #tpu.memory_space<hbm>>) dst(%arg7 : memref<128x128xf32, #tpu.memory_space<vmem>>)
      tpu.yield
    }) : () -> ()
    "tpu.region"() ({
      %run_scoped3A = tpu.sem_alloc : memref<!tpu.dma_semaphore, #tpu.memory_space<semaphore_mem>>
      %dma_start3A = arith.constant 0 : i32
      %dma_start3A_25 = arith.constant 0 : i32
      %dma_start3A_26 = tpu.memref_slice %arg8[%dma_start3A, %dma_start3A_25] : memref<256x128xf32, #tpu.memory_space<vmem_shared>> -> memref<256x128xf32, #tpu.memory_space<vmem_shared>>
      tpu.enqueue_indirect_dma source(%arg7 : memref<128x128xf32, #tpu.memory_space<vmem>>) target(%dma_start3A_26 : memref<256x128xf32, #tpu.memory_space<vmem_shared>>) offsets(%arg6 : memref<128xi32, #tpu.memory_space<vmem>>) semaphore(%run_scoped3A : memref<!tpu.dma_semaphore, #tpu.memory_space<semaphore_mem>>) {add = true}
      %dma_wait3A = arith.constant 0 : i32
      %dma_wait3A_27 = arith.constant 0 : i32
      %dma_wait3A_28 = tpu.memref_slice %arg8[%dma_wait3A, %dma_wait3A_27] : memref<256x128xf32, #tpu.memory_space<vmem_shared>> -> memref<256x128xf32, #tpu.memory_space<vmem_shared>>
      tpu.wait_indirect_dma semaphore(%run_scoped3A : memref<!tpu.dma_semaphore, #tpu.memory_space<semaphore_mem>>) src(%arg7 : memref<128x128xf32, #tpu.memory_space<vmem>>) dst(%dma_wait3A_28 : memref<256x128xf32, #tpu.memory_space<vmem_shared>>)
      tpu.yield
    }) : () -> ()
    %mul3A_15 = arith.constant 512 : i32
    %mul3A_16 = arith.muli %add3A, %mul3A_15 : i32
    %add3A_17 = arith.constant 384 : i32
    %add3A_18 = arith.addi %mul3A_16, %add3A_17 : i32
    "tpu.region"() ({
      %run_scoped3A = tpu.sem_alloc : memref<!tpu.dma_semaphore, #tpu.memory_space<semaphore_mem>>
      %dma_start3A = tpu.memref_slice %arg3[%add3A_18] : memref<16384xi32, #tpu.memory_space<hbm>> -> memref<128xi32, #tpu.memory_space<hbm>>
      %dma_start3A_25 = tpu.memref_slice %arg3[%add3A_18] : memref<16384xi32, #tpu.memory_space<hbm>> -> memref<128xi32, #tpu.memory_space<hbm>>
      tpu.enqueue_dma source(%dma_start3A_25 : memref<128xi32, #tpu.memory_space<hbm>>) target(%arg6 : memref<128xi32, #tpu.memory_space<vmem>>) target_semaphore(%run_scoped3A : memref<!tpu.dma_semaphore, #tpu.memory_space<semaphore_mem>>)
      %dma_wait3A = tpu.memref_slice %arg3[%add3A_18] : memref<16384xi32, #tpu.memory_space<hbm>> -> memref<128xi32, #tpu.memory_space<hbm>>
      %dma_wait3A_26 = tpu.memref_slice %arg3[%add3A_18] : memref<16384xi32, #tpu.memory_space<hbm>> -> memref<128xi32, #tpu.memory_space<hbm>>
      tpu.wait_dma2 semaphore(%run_scoped3A : memref<!tpu.dma_semaphore, #tpu.memory_space<semaphore_mem>>) src(%dma_wait3A_26 : memref<128xi32, #tpu.memory_space<hbm>>) dst(%arg6 : memref<128xi32, #tpu.memory_space<vmem>>)
      tpu.yield
    }) : () -> ()
    "tpu.region"() ({
      %run_scoped3A = tpu.sem_alloc : memref<!tpu.dma_semaphore, #tpu.memory_space<semaphore_mem>>
      %dma_start3A = arith.constant 0 : i32
      %dma_start3A_25 = tpu.memref_slice %arg2[%add3A_18, %dma_start3A] : memref<16384x128xf32, #tpu.memory_space<hbm>> -> memref<128x128xf32, #tpu.memory_space<hbm>>
      %dma_start3A_26 = arith.constant 0 : i32
      %dma_start3A_27 = tpu.memref_slice %arg2[%add3A_18, %dma_start3A_26] : memref<16384x128xf32, #tpu.memory_space<hbm>> -> memref<128x128xf32, #tpu.memory_space<hbm>>
      tpu.enqueue_dma source(%dma_start3A_27 : memref<128x128xf32, #tpu.memory_space<hbm>>) target(%arg7 : memref<128x128xf32, #tpu.memory_space<vmem>>) target_semaphore(%run_scoped3A : memref<!tpu.dma_semaphore, #tpu.memory_space<semaphore_mem>>)
      %dma_wait3A = arith.constant 0 : i32
      %dma_wait3A_28 = tpu.memref_slice %arg2[%add3A_18, %dma_wait3A] : memref<16384x128xf32, #tpu.memory_space<hbm>> -> memref<128x128xf32, #tpu.memory_space<hbm>>
      %dma_wait3A_29 = arith.constant 0 : i32
      %dma_wait3A_30 = tpu.memref_slice %arg2[%add3A_18, %dma_wait3A_29] : memref<16384x128xf32, #tpu.memory_space<hbm>> -> memref<128x128xf32, #tpu.memory_space<hbm>>
      tpu.wait_dma2 semaphore(%run_scoped3A : memref<!tpu.dma_semaphore, #tpu.memory_space<semaphore_mem>>) src(%dma_wait3A_30 : memref<128x128xf32, #tpu.memory_space<hbm>>) dst(%arg7 : memref<128x128xf32, #tpu.memory_space<vmem>>)
      tpu.yield
    }) : () -> ()
    "tpu.region"() ({
      %run_scoped3A = tpu.sem_alloc : memref<!tpu.dma_semaphore, #tpu.memory_space<semaphore_mem>>
      %dma_start3A = arith.constant 0 : i32
      %dma_start3A_25 = arith.constant 0 : i32
      %dma_start3A_26 = tpu.memref_slice %arg8[%dma_start3A, %dma_start3A_25] : memref<256x128xf32, #tpu.memory_space<vmem_shared>> -> memref<256x128xf32, #tpu.memory_space<vmem_shared>>
      tpu.enqueue_indirect_dma source(%arg7 : memref<128x128xf32, #tpu.memory_space<vmem>>) target(%dma_start3A_26 : memref<256x128xf32, #tpu.memory_space<vmem_shared>>) offsets(%arg6 : memref<128xi32, #tpu.memory_space<vmem>>) semaphore(%run_scoped3A : memref<!tpu.dma_semaphore, #tpu.memory_space<semaphore_mem>>) {add = true}
      %dma_wait3A = arith.constant 0 : i32
      %dma_wait3A_27 = arith.constant 0 : i32
      %dma_wait3A_28 = tpu.memref_slice %arg8[%dma_wait3A, %dma_wait3A_27] : memref<256x128xf32, #tpu.memory_space<vmem_shared>> -> memref<256x128xf32, #tpu.memory_space<vmem_shared>>
      tpu.wait_indirect_dma semaphore(%run_scoped3A : memref<!tpu.dma_semaphore, #tpu.memory_space<semaphore_mem>>) src(%arg7 : memref<128x128xf32, #tpu.memory_space<vmem>>) dst(%dma_wait3A_28 : memref<256x128xf32, #tpu.memory_space<vmem_shared>>)
      tpu.yield
    }) : () -> ()
    %barrier3A_19 = arith.constant 0 : index
    tpu.barrier barrier_id(%barrier3A_19)
    %eq3A_20 = arith.constant 0 : i32
    %eq3A_21 = arith.cmpi eq, %arg1, %eq3A_20 : i32
    %convert_element_type3A_22 = arith.extui %eq3A_21 : i1 to i32
    %cond3A_23 = arith.constant 0 : i32
    %cond3A_24 = arith.cmpi ne, %convert_element_type3A_22, %cond3A_23 : i32
    scf.if %cond3A_24 {
      "tpu.region"() ({
        %run_scoped3A = tpu.sem_alloc : memref<!tpu.dma_semaphore, #tpu.memory_space<semaphore_mem>>
        %dma_start3A = arith.constant 0 : i32
        %dma_start3A_25 = arith.constant 0 : i32
        %dma_start3A_26 = tpu.memref_slice %arg5[%arg0, %dma_start3A, %dma_start3A_25] : memref<2x256x128xf32, #tpu.memory_space<hbm>> -> memref<1x256x128xf32, #tpu.memory_space<hbm>>
        %dma_start3A_27 = tpu.memref_squeeze %dma_start3A_26 : memref<1x256x128xf32, #tpu.memory_space<hbm>> -> memref<256x128xf32, #tpu.memory_space<hbm>>
        tpu.enqueue_dma source(%arg8 : memref<256x128xf32, #tpu.memory_space<vmem_shared>>) target(%dma_start3A_27 : memref<256x128xf32, #tpu.memory_space<hbm>>) target_semaphore(%run_scoped3A : memref<!tpu.dma_semaphore, #tpu.memory_space<semaphore_mem>>)
        %dma_wait3A = arith.constant 0 : i32
        %dma_wait3A_28 = arith.constant 0 : i32
        %dma_wait3A_29 = tpu.memref_slice %arg5[%arg0, %dma_wait3A, %dma_wait3A_28] : memref<2x256x128xf32, #tpu.memory_space<hbm>> -> memref<1x256x128xf32, #tpu.memory_space<hbm>>
        %dma_wait3A_30 = tpu.memref_squeeze %dma_wait3A_29 : memref<1x256x128xf32, #tpu.memory_space<hbm>> -> memref<256x128xf32, #tpu.memory_space<hbm>>
        tpu.wait_dma2 semaphore(%run_scoped3A : memref<!tpu.dma_semaphore, #tpu.memory_space<semaphore_mem>>) src(%arg8 : memref<256x128xf32, #tpu.memory_space<vmem_shared>>) dst(%dma_wait3A_30 : memref<256x128xf32, #tpu.memory_space<hbm>>)
        tpu.yield
      }) : () -> ()
    } else {
    }
    return
  }
}

module attributes {stable_mosaic.version = 14 : i64} {
  func.func @_head_kernel(%arg0: i32, %arg1: memref<2048x128xf32, #tpu.memory_space<vmem>>, %arg2: memref<2048x128xf32, #tpu.memory_space<vmem>>, %arg3: memref<256x128xf32, #tpu.memory_space<vmem>>, %arg4: memref<1x1x2048xi32, #tpu.memory_space<vmem>>, %arg5: memref<1x1x2048xi32, #tpu.memory_space<vmem>>, %arg6: memref<2x1x2048xi32, #tpu.memory_space<vmem>>, %arg7: memref<1x128xf32, #tpu.memory_space<vmem>>) attributes {dimension_semantics = [#tpu.dimension_semantics<arbitrary>], iteration_bounds = array<i64: 4>, scalar_prefetch = 0 : i64, scratch_operands = 0 : i64, tpu.core_type = #tpu.core_type<tc>, window_params = [{transform_indices = @transform_0, window_bounds = array<i64: 2048, 128>}, {transform_indices = @transform_1, window_bounds = array<i64: 2048, 128>}, {pipeline_mode = #tpu.pipeline_mode<synchronous>, transform_indices = @transform_2, window_bounds = array<i64: 256, 128>}, {transform_indices = @transform_3, window_bounds = array<i64: 1, 1, 2048>}, {transform_indices = @transform_4, window_bounds = array<i64: 1, 1, 2048>}, {transform_indices = @transform_5, window_bounds = array<i64: 2, 1, 2048>}, {pipeline_mode = #tpu.pipeline_mode<synchronous>, transform_indices = @transform_6, window_bounds = array<i64: 1, 128>}]} {
    %get3A = arith.constant 0 : index
    %get3A_0 = arith.constant 0 : index
    %get3A_1 = vector.load %arg3[%get3A, %get3A_0] : memref<256x128xf32, #tpu.memory_space<vmem>>, vector<256x128xf32>
    %get3A_2 = arith.constant 0 : index
    %get3A_3 = arith.constant 0 : index
    %get3A_4 = vector.load %arg1[%get3A_2, %get3A_3] : memref<2048x128xf32, #tpu.memory_space<vmem>>, vector<2048x128xf32>
    %get3A_5 = arith.constant 0 : index
    %get3A_6 = arith.constant 0 : index
    %get3A_7 = arith.constant 0 : index
    %get3A_8 = vector.load %arg4[%get3A_5, %get3A_6, %get3A_7] : memref<1x1x2048xi32, #tpu.memory_space<vmem>>, vector<1x1x2048xi32>
    %get3A_9 = vector.shape_cast %get3A_8 : vector<1x1x2048xi32> to vector<1x2048xi32>
    %dot_general3A = arith.constant dense<0.000000e+00> : vector<256x2048xf32>
    %dot_general3A_10 = tpu.matmul %get3A_1, %get3A_4, %dot_general3A {dimension_numbers = #tpu.dot_dimension_numbers<[1], [1], [0], [0], [0, 0, 1, 0], [], []>, transpose_lhs_hint = false} : vector<256x128xf32>, vector<2048x128xf32>, vector<256x2048xf32> -> vector<256x2048xf32>
    %iota3A = tpu.iota {dimensions = array<i32: 0>} : vector<256x2048xi32>
    %reduce_max3A = arith.constant dense<0xFF800000> : vector<2048xf32>
    %reduce_max3A_11 = vector.multi_reduction <maximumf>, %dot_general3A_10, %reduce_max3A [0] : vector<256x2048xf32> to vector<2048xf32>
    %broadcast_in_dim3A = vector.shape_cast %reduce_max3A_11 : vector<2048xf32> to vector<1x2048xf32>
    %eq3A = vector.broadcast %broadcast_in_dim3A : vector<1x2048xf32> to vector<256x2048xf32>
    %eq3A_12 = arith.cmpf oeq, %dot_general3A_10, %eq3A : vector<256x2048xf32>
    %jit3A = arith.constant 256 : i32
    %broadcast_in_dim3A_13 = vector.broadcast %jit3A : i32 to vector<256x2048xi32>
    %select_n3A = arith.select %eq3A_12, %iota3A, %broadcast_in_dim3A_13 : vector<256x2048xi1>, vector<256x2048xi32>
    %reduce_min3A = arith.constant dense<2147483647> : vector<2048xi32>
    %reduce_min3A_14 = vector.multi_reduction <minsi>, %select_n3A, %reduce_min3A [0] : vector<256x2048xi32> to vector<2048xi32>
    %broadcast_in_dim3A_15 = vector.shape_cast %reduce_min3A_14 : vector<2048xi32> to vector<1x2048xi32>
    %eq3A_16 = arith.cmpi eq, %broadcast_in_dim3A_15, %get3A_9 : vector<1x2048xi32>
    %exp3A = math.exp %dot_general3A_10 : vector<256x2048xf32>
    %reduce_sum3A = arith.constant dense<0.000000e+00> : vector<2048xf32>
    %reduce_sum3A_17 = vector.multi_reduction <add>, %exp3A, %reduce_sum3A [0] : vector<256x2048xf32> to vector<2048xf32>
    %broadcast_in_dim3A_18 = vector.shape_cast %reduce_sum3A_17 : vector<2048xf32> to vector<1x2048xf32>
    %log3A = math.log %broadcast_in_dim3A_18 : vector<1x2048xf32>
    %reduce_sum3A_19 = vector.shape_cast %log3A : vector<1x2048xf32> to vector<1x1x2048xf32>
    %reduce_sum3A_20 = arith.constant dense<0.000000e+00> : vector<1xf32>
    %reduce_sum3A_21 = vector.multi_reduction <add>, %reduce_sum3A_19, %reduce_sum3A_20 [1, 2] : vector<1x1x2048xf32> to vector<1xf32>
    %reduce_sum3A_22 = vector.shape_cast %reduce_sum3A_21 : vector<1xf32> to vector<1x1x1xf32>
    %reduce_sum3A_23 = vector.extract %reduce_sum3A_22[0, 0, 0] : f32 from vector<1x1x1xf32>
    %swap3A = arith.constant 0 : index
    %swap3A_24 = arith.constant 0 : index
    %swap3A_25 = arith.constant 0 : index
    %swap3A_26 = vector.load %arg6[%swap3A, %swap3A_24, %swap3A_25] : memref<2x1x2048xi32, #tpu.memory_space<vmem>>, vector<1x1x2048xi32>
    %swap3A_27 = arith.extui %eq3A_16 : vector<1x2048xi1> to vector<1x2048xi32>
    %swap3A_28 = vector.shape_cast %swap3A_26 : vector<1x1x2048xi32> to vector<1x2048xi32>
    %swap3A_29 = vector.shape_cast %swap3A_27 : vector<1x2048xi32> to vector<1x1x2048xi32>
    %swap3A_30 = arith.constant dense<0> : vector<1x2048xi32>
    %swap3A_31 = arith.cmpi ne, %swap3A_28, %swap3A_30 : vector<1x2048xi32>
    tpu.vector_store %arg6[%swap3A, %swap3A_24, %swap3A_25], %swap3A_29 {strides = array<i32>} : memref<2x1x2048xi32, #tpu.memory_space<vmem>>, vector<1x1x2048xi32>,
    %get3A_32 = arith.constant 0 : index
    %get3A_33 = arith.constant 0 : index
    %get3A_34 = vector.load %arg2[%get3A_32, %get3A_33] : memref<2048x128xf32, #tpu.memory_space<vmem>>, vector<2048x128xf32>
    %get3A_35 = arith.constant 0 : index
    %get3A_36 = arith.constant 0 : index
    %get3A_37 = arith.constant 0 : index
    %get3A_38 = vector.load %arg5[%get3A_35, %get3A_36, %get3A_37] : memref<1x1x2048xi32, #tpu.memory_space<vmem>>, vector<1x1x2048xi32>
    %get3A_39 = vector.shape_cast %get3A_38 : vector<1x1x2048xi32> to vector<1x2048xi32>
    %dot_general3A_40 = arith.constant dense<0.000000e+00> : vector<256x2048xf32>
    %dot_general3A_41 = tpu.matmul %get3A_1, %get3A_34, %dot_general3A_40 {dimension_numbers = #tpu.dot_dimension_numbers<[1], [1], [0], [0], [0, 0, 1, 0], [], []>, transpose_lhs_hint = false} : vector<256x128xf32>, vector<2048x128xf32>, vector<256x2048xf32> -> vector<256x2048xf32>
    %iota3A_42 = tpu.iota {dimensions = array<i32: 0>} : vector<256x2048xi32>
    %reduce_max3A_43 = arith.constant dense<0xFF800000> : vector<2048xf32>
    %reduce_max3A_44 = vector.multi_reduction <maximumf>, %dot_general3A_41, %reduce_max3A_43 [0] : vector<256x2048xf32> to vector<2048xf32>
    %broadcast_in_dim3A_45 = vector.shape_cast %reduce_max3A_44 : vector<2048xf32> to vector<1x2048xf32>
    %eq3A_46 = vector.broadcast %broadcast_in_dim3A_45 : vector<1x2048xf32> to vector<256x2048xf32>
    %eq3A_47 = arith.cmpf oeq, %dot_general3A_41, %eq3A_46 : vector<256x2048xf32>
    %jit3A_48 = arith.constant 256 : i32
    %broadcast_in_dim3A_49 = vector.broadcast %jit3A_48 : i32 to vector<256x2048xi32>
    %select_n3A_50 = arith.select %eq3A_47, %iota3A_42, %broadcast_in_dim3A_49 : vector<256x2048xi1>, vector<256x2048xi32>
    %reduce_min3A_51 = arith.constant dense<2147483647> : vector<2048xi32>
    %reduce_min3A_52 = vector.multi_reduction <minsi>, %select_n3A_50, %reduce_min3A_51 [0] : vector<256x2048xi32> to vector<2048xi32>
    %broadcast_in_dim3A_53 = vector.shape_cast %reduce_min3A_52 : vector<2048xi32> to vector<1x2048xi32>
    %eq3A_54 = arith.cmpi eq, %broadcast_in_dim3A_53, %get3A_39 : vector<1x2048xi32>
    %exp3A_55 = math.exp %dot_general3A_41 : vector<256x2048xf32>
    %reduce_sum3A_56 = arith.constant dense<0.000000e+00> : vector<2048xf32>
    %reduce_sum3A_57 = vector.multi_reduction <add>, %exp3A_55, %reduce_sum3A_56 [0] : vector<256x2048xf32> to vector<2048xf32>
    %broadcast_in_dim3A_58 = vector.shape_cast %reduce_sum3A_57 : vector<2048xf32> to vector<1x2048xf32>
    %log3A_59 = math.log %broadcast_in_dim3A_58 : vector<1x2048xf32>
    %reduce_sum3A_60 = vector.shape_cast %log3A_59 : vector<1x2048xf32> to vector<1x1x2048xf32>
    %reduce_sum3A_61 = arith.constant dense<0.000000e+00> : vector<1xf32>
    %reduce_sum3A_62 = vector.multi_reduction <add>, %reduce_sum3A_60, %reduce_sum3A_61 [1, 2] : vector<1x1x2048xf32> to vector<1xf32>
    %reduce_sum3A_63 = vector.shape_cast %reduce_sum3A_62 : vector<1xf32> to vector<1x1x1xf32>
    %reduce_sum3A_64 = vector.extract %reduce_sum3A_63[0, 0, 0] : f32 from vector<1x1x1xf32>
    %swap3A_65 = arith.constant 1 : index
    %swap3A_66 = arith.constant 0 : index
    %swap3A_67 = arith.constant 0 : index
    %swap3A_68 = vector.load %arg6[%swap3A_65, %swap3A_66, %swap3A_67] : memref<2x1x2048xi32, #tpu.memory_space<vmem>>, vector<1x1x2048xi32>
    %swap3A_69 = arith.extui %eq3A_54 : vector<1x2048xi1> to vector<1x2048xi32>
    %swap3A_70 = vector.shape_cast %swap3A_68 : vector<1x1x2048xi32> to vector<1x2048xi32>
    %swap3A_71 = vector.shape_cast %swap3A_69 : vector<1x2048xi32> to vector<1x1x2048xi32>
    %swap3A_72 = arith.constant dense<0> : vector<1x2048xi32>
    %swap3A_73 = arith.cmpi ne, %swap3A_70, %swap3A_72 : vector<1x2048xi32>
    tpu.vector_store %arg6[%swap3A_65, %swap3A_66, %swap3A_67], %swap3A_71 {strides = array<i32>} : memref<2x1x2048xi32, #tpu.memory_space<vmem>>, vector<1x1x2048xi32>,
    %add3A = arith.addf %reduce_sum3A_23, %reduce_sum3A_64 : f32
    %eq3A_74 = arith.constant 0 : i32
    %eq3A_75 = arith.cmpi eq, %arg0, %eq3A_74 : i32
    %broadcast_in_dim3A_76 = arith.constant 0.000000e+00 : f32
    %broadcast_in_dim3A_77 = vector.broadcast %broadcast_in_dim3A_76 : f32 to vector<1x128xf32>
    %get3A_78 = arith.constant 0 : index
    %get3A_79 = arith.constant 0 : index
    %get3A_80 = vector.load %arg7[%get3A_78, %get3A_79] : memref<1x128xf32, #tpu.memory_space<vmem>>, vector<1x128xf32>
    %select_n3A_81 = arith.select %eq3A_75, %broadcast_in_dim3A_77, %get3A_80 : vector<1x128xf32>
    %add3A_82 = vector.broadcast %add3A : f32 to vector<1x128xf32>
    %add3A_83 = arith.addf %select_n3A_81, %add3A_82 : vector<1x128xf32>
    %swap3A_84 = arith.constant 0 : index
    %swap3A_85 = arith.constant 0 : index
    %swap3A_86 = vector.load %arg7[%swap3A_84, %swap3A_85] : memref<1x128xf32, #tpu.memory_space<vmem>>, vector<1x128xf32>
    tpu.vector_store %arg7[%swap3A_84, %swap3A_85], %add3A_83 {strides = array<i32>} : memref<1x128xf32, #tpu.memory_space<vmem>>, vector<1x128xf32>,
    return
  }
  func.func @transform_0(%arg0: i32) -> (i32, i32) {
    %mul3A = arith.constant 2 : i32
    %mul3A_0 = arith.muli %mul3A, %arg0 : i32
    %add3A = arith.constant 0 : i32
    %add3A_1 = arith.addi %mul3A_0, %add3A : i32
    %c0_i32 = arith.constant 0 : i32
    %c0_i32_2 = arith.constant 0 : i32
    return %add3A_1, %c0_i32 : i32, i32
  }
  func.func @transform_1(%arg0: i32) -> (i32, i32) {
    %mul3A = arith.constant 2 : i32
    %mul3A_0 = arith.muli %mul3A, %arg0 : i32
    %add3A = arith.constant 1 : i32
    %add3A_1 = arith.addi %mul3A_0, %add3A : i32
    %c0_i32 = arith.constant 0 : i32
    %c0_i32_2 = arith.constant 0 : i32
    return %add3A_1, %c0_i32 : i32, i32
  }
  func.func @transform_2(%arg0: i32) -> (i32, i32) {
    %c0_i32 = arith.constant 0 : i32
    %c0_i32_0 = arith.constant 0 : i32
    %c0_i32_1 = arith.constant 0 : i32
    return %c0_i32, %c0_i32_0 : i32, i32
  }
  func.func @transform_3(%arg0: i32) -> (i32, i32, i32) {
    %mul3A = arith.constant 2 : i32
    %mul3A_0 = arith.muli %mul3A, %arg0 : i32
    %add3A = arith.constant 0 : i32
    %add3A_1 = arith.addi %mul3A_0, %add3A : i32
    %c0_i32 = arith.constant 0 : i32
    %c0_i32_2 = arith.constant 0 : i32
    %c0_i32_3 = arith.constant 0 : i32
    return %add3A_1, %c0_i32, %c0_i32_2 : i32, i32, i32
  }
  func.func @transform_4(%arg0: i32) -> (i32, i32, i32) {
    %mul3A = arith.constant 2 : i32
    %mul3A_0 = arith.muli %mul3A, %arg0 : i32
    %add3A = arith.constant 1 : i32
    %add3A_1 = arith.addi %mul3A_0, %add3A : i32
    %c0_i32 = arith.constant 0 : i32
    %c0_i32_2 = arith.constant 0 : i32
    %c0_i32_3 = arith.constant 0 : i32
    return %add3A_1, %c0_i32, %c0_i32_2 : i32, i32, i32
  }
  func.func @transform_5(%arg0: i32) -> (i32, i32, i32) {
    %c0_i32 = arith.constant 0 : i32
    %c0_i32_0 = arith.constant 0 : i32
    %c0_i32_1 = arith.constant 0 : i32
    return %arg0, %c0_i32, %c0_i32_0 : i32, i32, i32
  }
  func.func @transform_6(%arg0: i32) -> (i32, i32) {
    %c0_i32 = arith.constant 0 : i32
    %c0_i32_0 = arith.constant 0 : i32
    %c0_i32_1 = arith.constant 0 : i32
    return %c0_i32, %c0_i32_0 : i32, i32
  }
}

</mosaic_0001>

<sc_bundles>
// kernel: kernel.4.cloned.1.call-start
scs
__scs_entry_jumppad:
0x0: {  	(pc) =	sbr.rel $0x88, $3  }
0x1: {  	(tag) =	ssettag $0x0;
	lr =	simm.s32 $0x1  }
0x2: {  	[smem:$0x3F9E] =	sst lr;
	_ =	strace $0xD0000000  }
0x3: {  	_ = 	snop  }
0x4: {  	_ = 	snop  }
0x5: {  	_ = 	snop  }
0x6: {  	_ = 	snop  }
0x7: {  	_ = 	snop  }
__scs_overlays_trampoline_lowered:
0x8: {  	[smem:$0x3FAD] =	sst s0  }
0x9: {  	[smem:$0x3FAE] =	sst s1  }
0xa: {  	[smem:$0x3FAF] =	sst s2  }
0xb: {  	[smem:$0x3FB0] =	sst s3  }
0xc: {  	[smem:$0x3FB1] =	sst s4  }
0xd: {  	[smem:$0x3FB2] =	sst s5  }
0xe: {  	[smem:$0x3FB3] =	sst s6  }
0xf: {  	[smem:$0x3FB4] =	sst s7  }
0x10: {  	[smem:$0x3FB5] =	sst s8  }
0x11: {  	[smem:$0x3FB6] =	sst s9;
	s0 =	simm.s32 @!p0 $0x0  }
0x12: {  	s1 =	sld [smem:$0x3F9C];
	s0 =	simm.s32 @p0 $0x1  }
0x13: {  	[smem:$0x3FB7] =	sst s0;
	s0 =	simm.s32 @!p1 $0x0  }
0x14: {  	s2 =	sld [smem:$0x3F9B];
	s0 =	simm.s32 @p1 $0x1  }
0x15: {  	[smem:$0x3FB8] =	sst s0;
	s0 =	simm.s32 @!p2 $0x0  }
0x16: {  	s3 =	sld [smem:$0x3FDB];
	s0 =	simm.s32 @p2 $0x1  }
0x17: {  	s4 =	simm.s32 $0x1BF5;
	[smem:$0x3FBA] =	sst s0  }
0x18: {  	s0 =	sld [smem:$0x3F9D];
	_ =	swait.ge [sflag:s4], $0x0  }
0x19: {  	s7 =	sld [smem:$0x3F9E]  }
0x1a: {  	s8 =	sadd.s32 $0xFFFFE003, lr  }
0x1b: {  	s9 =	sadd.s32 $0xFFFFFEF7, lr;
	s5 =	simm.s32 $0xFFFFFFFF;
	p2 =	slt.u32 s8, $0xFFFFF086  }
0x1c: {  	p1 =	slt.u32 s9, $0xF7A;
	s5 =	simm.s32 @!p2 $0x0  }
0x1d: {  	s5 =	simm.s32 @p1 $0x1;
	p0 =	seq.s32 s7, s2  }
0x1e: {  	s7 =	smul.u32 @!p0 $0xF7A, s2;
	p2 =	seq.s32 @!p0 s5, $0x0  }
0x1f: {  	s9 =	smul.u32 $0xF7A, s1;
	s8 =	simm.s32 @!p0 $0x1BF5;
	p2 =	por !p2, p0  }
0x20: {  	[sflag:s8] =	ssyncset.s32 @!p0 $0xFFFFF086;
	s6 =	sadd.s32 @!p0 s3, s7;
	s7 =	simm.s32 @!p0 $0x108  }
0x21: {  	s3 =	sadd.s32 s3, s9;
	s6 =	sadd.s32 @!p0 $0x88, s6;
	s7 =	simm.s32 @p2 $0x1082  }
0x22: {  	[simem:s7], [sflag:s8] =	dma.local @!p0 [hbm:s6], $0xF7A  }
0x23: {  	s9 =	sor.u32 $0xD0000000, s2;
	s6 =	simm.s32 $0x108;
	_ =	swait.ge @!p0 [sflag:s8], $0x0  }
0x24: {  	s3 =	sadd.s32 $0x88, s3;
	s6 =	simm.s32 @!p1 $0x1082;
	[sflag:s4] =	ssyncset.s32 $0xFFFFF086  }
0x25: {  	[simem:s6], [sflag:s4] =	dma.local [hbm:s3], $0xF7A  }
0x26: {  	[smem:$0x3F9E] =	sst s1;
	(tag) =	ssettag s2;
	_ =	strace s9  }
0x27: {  	s1 =	sld [smem:$0x3FAE]  }
0x28: {  	s2 =	sld [smem:$0x3FAF]  }
0x29: {  	s4 =	sld [smem:$0x3FB1]  }
0x2a: {  	p0 =	seq.s32 s5, $0x0;
	s5 =	sld [smem:$0x3FB2]  }
0x2b: {  	s6 =	sld [smem:$0x3FB3]  }
0x2c: {  	s7 =	sld [smem:$0x3FB4]  }
0x2d: {  	s3 =	simm.s32 $0x108;
	s8 =	sld [smem:$0x3FB5]  }
0x2e: {  	s3 =	simm.s32 @!p0 $0x1082;
	s9 =	sld [smem:$0x3FB6]  }
0x2f: {  	lr =	sadd.s32 s0, s3;
	s0 =	sld [smem:$0x3FAD]  }
0x30: {  	s3 =	sld [smem:$0x3FB0]  }
0x31: {  	[smem:$0x3FB9] =	sst s10  }
0x32: {  	s10 =	sld [smem:$0x3FB7];
	_ =	sdelay $0x3  }
0x33: {  	p0 =	seq.s32 s10, $0x1;
	s10 =	sld [smem:$0x3FB9];
	_ =	sdelay $0x3  }
0x34: {  	[smem:$0x3FB9] =	sst s10  }
0x35: {  	s10 =	sld [smem:$0x3FB8];
	_ =	sdelay $0x3  }
0x36: {  	p1 =	seq.s32 s10, $0x1;
	s10 =	sld [smem:$0x3FB9];
	_ =	sdelay $0x3  }
0x37: {  	[smem:$0x3FB9] =	sst s10  }
0x38: {  	s10 =	sld [smem:$0x3FBA]  }
0x39: {  	_ = 	snop;
	(pc) =	sbr.ind lr, $3  }
0x3a: {  	_ = 	snop  }
0x3b: {  	_ = 	snop  }
0x3c: {  	p2 =	seq.s32 s10, $0x1;
	s10 =	sld [smem:$0x3FB9]  }
0x3d: {  	_ =	shalt  }
0x3e: {  	_ =	shalt  }
0x3f: {  	_ =	shalt  }
0x40: {  	_ =	shalt  }
0x41: {  	_ =	shalt  }
0x42: {  	_ =	shalt  }
0x43: {  	_ =	shalt  }
0x44: {  	_ =	shalt  }
0x45: {  	_ =	shalt  }
0x46: {  	_ =	shalt  }
0x47: {  	_ =	shalt  }
0x48: {  	_ =	shalt  }
0x49: {  	_ =	shalt  }
0x4a: {  	_ =	shalt  }
0x4b: {  	_ =	shalt  }
0x4c: {  	_ =	shalt  }
0x4d: {  	_ =	shalt  }
0x4e: {  	_ =	shalt  }
0x4f: {  	_ =	shalt  }
0x50: {  	_ =	shalt  }
0x51: {  	_ =	shalt  }
0x52: {  	_ =	shalt  }
0x53: {  	_ =	shalt  }
0x54: {  	_ =	shalt  }
0x55: {  	_ =	shalt  }
0x56: {  	_ =	shalt  }
0x57: {  	_ =	shalt  }
0x58: {  	_ =	shalt  }
0x59: {  	_ =	shalt  }
0x5a: {  	_ =	shalt  }
0x5b: {  	_ =	shalt  }
0x5c: {  	_ =	shalt  }
0x5d: {  	_ =	shalt  }
0x5e: {  	_ =	shalt  }
0x5f: {  	_ =	shalt  }
0x60: {  	_ =	shalt  }
0x61: {  	_ =	shalt  }
0x62: {  	_ =	shalt  }
0x63: {  	_ =	shalt  }
0x64: {  	_ =	shalt  }
0x65: {  	_ =	shalt  }
0x66: {  	_ =	shalt  }
0x67: {  	_ =	shalt  }
0x68: {  	_ =	shalt  }
0x69: {  	_ =	shalt  }
0x6a: {  	_ =	shalt  }
0x6b: {  	_ =	shalt  }
0x6c: {  	_ =	shalt  }
0x6d: {  	_ =	shalt  }
0x6e: {  	_ =	shalt  }
0x6f: {  	_ =	shalt  }
0x70: {  	_ =	shalt  }
0x71: {  	_ =	shalt  }
0x72: {  	_ =	shalt  }
0x73: {  	_ =	shalt  }
0x74: {  	_ =	shalt  }
0x75: {  	_ =	shalt  }
0x76: {  	_ =	shalt  }
0x77: {  	_ =	shalt  }
0x78: {  	_ =	shalt  }
0x79: {  	_ =	shalt  }
0x7a: {  	_ =	shalt  }
0x7b: {  	_ =	shalt  }
0x7c: {  	_ =	shalt  }
0x7d: {  	_ =	shalt  }
0x7e: {  	_ =	shalt  }
0x7f: {  	_ =	shalt  }
0x80: {  	_ =	shalt  }
0x81: {  	_ =	shalt  }
0x82: {  	_ =	shalt  }
0x83: {  	_ =	shalt  }
0x84: {  	_ =	shalt  }
0x85: {  	_ =	shalt  }
0x86: {  	_ =	shalt  }
0x87: {  	_ =	shalt  }
.Lfunc_end0:
.L_simem_size_0:
called_computation_lowered:
.L_overlay_start_0:
0x88: {  	s2 =	sld [smem:$0x3FD9]  }
0x89: {  	s3 =	sld [smem:$0x3FFE];
	_ =	sdelay $0x1  }
0x8a: {  	s1 =	srdreg.scid  }
0x8b: {  	s0 =	sand.u32 $0x1, s1  }
0x8c: {  	s17 =	sshll.u32 s0, $0xA;
	s2 =	sadd.s32 s3, s2  }
0x8d: {  	s2 =	sadd.s32 s2, s17  }
0x8e: {  	[smem:$0x3FC5] =	sst s2  }
0x8f: {  	_ = 	snop  }
0x90: {  	s2 =	sld [smem:$0x3FC9]  }
0x91: {  	s18 =	sld [smem:$0x3FC7];
	(tm) =	ssettm $0x1  }
0x92: {  	s4 =	sld [smem:$0x3FFB];
	_ =	sdelay $0x3  }
0x93: {  	_ =	strace s4  }
0x94: {  	s4 =	sld [smem:$0x3FFC];
	_ =	sdelay $0x3  }
0x95: {  	_ =	strace s4  }
0x96: {  	s4 =	sld [smem:$0x3FFD];
	_ =	sdelay $0x3  }
0x97: {  	_ =	strace s4  }
0x98: {  	_ =	strace $0x8FFFFFFF  }
0x99: {  	s19 =	sld [smem:$0x3FDB];
	_ =	sdelay $0x1  }
0x9a: {  	s5 =	simm.s32 $_scs_section_size  }
0x9b: {  	s6 =	simm.s32 $_size__tile_overlayer_lowered;
	s7 =	simm.s32 $_tile_overlayer_lowered  }
0x9c: {  	s22 =	simm.s32 $0x1BFF;
	s21 =	sshll.u32 s7, $0x1;
	s4 =	sadd.s32 s5, s19  }
0x9d: {  	s8 =	simm.s32 $0x0;
	s20 =	sshll.u32 s6, $0x1;
	s6 =	sadd.s32 s21, s4  }
0x9e: {  	[timem:s8], [sflag:s22] =	dma.local [hbm:s6], s20  }
0x9f: {  	_ =	swait.ge [sflag:s22], s20  }
0xa0: {  	s5 =	ssub.s32 $0x0, s20;
	[sflag:s22] =	ssyncset.done $0x0  }
0xa1: {  	[sflag:s22] =	ssyncadd.s32 s5;
	_ =	sdelay $0x1  }
0xa2: {  	s23 =	simm.s32 $0x1B8B  }
0xa3: {  	_ =	swait.ge [sflag:s23], $0x1  }
0xa4: {  	[sflag:s23] =	ssyncset.done $0x0  }
0xa5: {  	s25 =	simm.s32 $0x1B8E;
	s24 =	sld [smem:$0x3FFE];
	[sflag:s23] =	ssyncadd.s32 $0xFFFFFFFF  }
0xa6: {  	s26 =	simm.s32 $execute0_lowered;
	[smem:$0x3FD2] =	sst s25  }
0xa7: {  	s6 =	sshll.u32 s26, $0x1;
	_ =	strace $0x80000046;
	[dreg:$0x1] =	wrdreg $0xFFFFFFFF  }
0xa8: {  	s28 =	simm.s32 $_size_execute0_lowered;
	s4 =	sadd.s32 s4, s6;
	[dreg:$0x0] =	wrdreg $0x0  }
0xa9: {  	s6 =	sshll.u32 s28, $0x1;
	[dreg:$0x2] =	wrdreg s4  }
0xaa: {  	[dreg:$0x3] =	wrdreg s6  }
0xab: {  	[dreg:$0x4] =	wrdreg $0xC0  }
0xac: {  	_ =	task [dreg:s8], $0x5FFFF  }
0xad: {  	[dreg:$0x1] =	wrdreg $0xFFFFFFFF  }
0xae: {  	[dreg:$0x0] =	wrdreg $0x60  }
0xaf: {  	[dreg:$0x2] =	wrdreg s2  }
0xb0: {  	[dreg:$0x3] =	wrdreg s18  }
0xb1: {  	[dreg:$0x4] =	wrdreg s24  }
0xb2: {  	[dreg:$0x5] =	wrdreg $0x40800  }
0xb3: {  	[dreg:$0x6] =	wrdreg $0x9  }
0xb4: {  	_ =	task.clear_ibuf [dreg:s8], $0x7FFFF;
	_ =	strace $0x90000046  }
0xb5: {  	s29 =	simm.s32 $0x9;
	_ =	strace $0x80000048  }
0xb6: {  	_ =	swait.ge [sflag:s29], $0x1  }
0xb7: {  	[sflag:s29] =	ssyncadd.s32 $0xFFFFFFFF  }
0xb8: {  	_ =	strace $0x90000048  }
0xb9: {  	_ =	sfence  }
0xba: {  	s30 =	sld [smem:$0x0];
	_ =	sdelay $0x2  }
0xbb: {  	s31 =	sshll.u32 s1, $0xD;
	s1 =	sshrl.u32 s1, $0x2  }
0xbc: {  	s3 =	sand.u32 $0x4000, s31;
	s1 =	sadd.s32 s1, s30  }
0xbd: {  	s0 =	sor.u32 s3, s0;
	s1 =	sshll.u32 s1, $0x11  }
0xbe: {  	s0 =	sor.u32 s1, s0  }
0xbf: {  	s0 =	sadd.s32 $0x8F2B, s0  }
0xc0: {  	[sflag:s0] =	ssyncadd.remote.s32 $0x1  }
0xc1: {  	_ =	sfence.sel $0xFFFF  }
0xc2: {  	[dreg:$0x0] =	wrdreg $0xFFFFFFFF;
	(pc) =	sbr.abs _section_cstart, $3  }
0xc3: {  	[dreg:$0x1] =	wrdreg $0xFFFFFFFF  }
0xc4: {  	_ =	task.clear_ibuf [dreg:s8], $0x2FFFF;
	_ =	strace $0x9FFFFFFF  }
0xc5: {  	(tm) =	ssettm $0x7FFFFFFF  }
tec
execute0_lowered:
.L_overlay_start_1:
0x0: {  	(tag) =	ssettag $0x1  }
0x1: {  	s3 =	rddreg [dreg:$0x0]  }
0x2: {  	s4 =	rddreg [dreg:$0x1]  }
0x3: {  	s5 =	rddreg [dreg:$0x2]  }
0x4: {  	s1 =	rddreg [dreg:$0x3]  }
0x5: {  	s0 =	rddreg [dreg:$0x4];
	s2 =	simm.s32 $0x0;
	s6 =	srdreg.scid  }
0x6: {  	s8 =	stileid.u32;
	p1 =	por $0x0, $0x0;
	[smem:$0x7FF] =	sst s2  }
0x7: {  	s12 =	sadd.s32 $0x200, s5;
	s6 =	sand.u32 $0x1, s6;
	s9 =	sshll.u32 s8, $0xA  }
0x8: {  	p0 =	sne.s32 s8, $0x0;
	s8 =	simm.s32 $0x80;
	_ =	strace $0x80000047  }
0x9: {  	s7 =	ssub.s32 $0x2, s6;
	s10 =	sshll.u32 s6, $0x9;
	s6 =	sshll.u32 s6, $0xC  }
0xa: {  	s11 =	sshrl.u32 s7, $0x1;
	s9 =	sor.u32 s10, s9;
	s5 =	sadd.s32 s6, s5  }
0xb: {  	s22 =	ssub.s32 s7, s11;
	s23 =	sshrl.u32 s9, $0x3;
	s24 =	sshll.u32 s9, $0x4  }
0xc: {  	s10 =	sor.u32 $0x80, s9;
	s26 =	sor.u32 $0x100, s9;
	s31 =	smax.u32 s22, $0x1  }
0xd: {  	s16 =	sor.u32 $0x180, s9;
	s15 =	sadd.s32 s4, s23;
	s18 =	sadd.s32 $0xFFFFFFFF, s31  }
0xe: {  	s14 =	sadd.s32 s3, s24;
	s25 =	sshrl.u32 s10, $0x3;
	p2 =	sne.s32 s18, $0x0  }
.Ltmp0:
0xf: {  	s10 =	sshll.u32 s10, $0x4;
	s28 =	sshrl.u32 s26, $0x3;
	(pc) =	sbr.rel @!p2 .LBB2_3-.Ltmp0, $4  }
0x10: {  	s7 =	sshll.u32 s26, $0x4;
	s29 =	sshrl.u32 s16, $0x3;
	s30 =	sshll.u32 s16, $0x4  }
0x11: {  	s13 =	sadd.s32 s4, s25;
	s11 =	sadd.s32 s3, s10;
	s10 =	sadd.s32 s4, s28  }
0x12: {  	s9 =	sadd.s32 s3, s7;
	s7 =	sadd.s32 s4, s29;
	s6 =	sadd.s32 s3, s30  }
0x13: {  	s3 =	sadd.s32 $0x1200, s5;
	s4 =	sshrl.u32 @!p0 s1, $0x3;
	s5 =	simm.s32 $0x1  }
0x14: {  	s17 =	simm.s32 @!p0 $0x1C01;
	s16 =	simm.s32 @!p0 $0x1  }
0x15: {  	[spmem:s4], [sflag:s17] =	dma.local @!p0 [hbm:s12], $0x1000  }
0x16: {  	_ =	swait.ge @!p0 [sflag:s16], $0x1000  }
0x17: {  	[sflag:s16] =	ssyncset.done @!p0 $0x0  }
0x18: {  	[sflag:s16] =	ssyncadd.s32 @!p0 $0xFFFFF000  }
0x19: {  	[bflag:$0x0] =	sbarrier.arrive $0xFFFF  }
0x1a: {  	[tilespmem:s2], [sflag:$0x1] =	stream.linear.gather [hbm4b:s15+s2], $0x80, $0x38;
	[tilespmem:$0x4880] =	vst v63  }
0x1b: {  	_ =	swait.ge [sflag:s5], $0x80  }
0x1c: {  	[sflag:s5] =	ssyncset.done $0x0  }
0x1d: {  	[sflag:s5] =	ssyncadd.s32 $0xFFFFFF80  }
0x1e: {  	[tilespmem:s8], [sflag:$0x1] =	stream.linear.gather [hbm4b:s14+s2], $0x4000, $0x38;
	[tilespmem:$0x4880] =	vst v63  }
0x1f: {  	_ =	swait.ge [sflag:s5], $0x4000  }
0x20: {  	[sflag:s5] =	ssyncset.done $0x0  }
0x21: {  	[sflag:s5] =	ssyncadd.s32 $0xFFFFC000  }
0x22: {  	[spmem:s1] =	stream.indirect.scatter.add.f32 [tilespmem:s8], [sflag:$0x1], $0x80, s2, s8, $0xb8;
	[tilespmem:$0x4880] =	vst v63  }
0x23: {  	_ =	swait.ge [sflag:s5], $0x4000  }
0x24: {  	[sflag:s5] =	ssyncset.done $0x0  }
0x25: {  	[sflag:s5] =	ssyncadd.s32 $0xFFFFC000  }
0x26: {  	[tilespmem:s2], [sflag:$0x1] =	stream.linear.gather [hbm4b:s13+s2], $0x80, $0x38;
	[tilespmem:$0x4880] =	vst v63  }
0x27: {  	_ =	swait.ge [sflag:s5], $0x80  }
0x28: {  	[sflag:s5] =	ssyncset.done $0x0  }
0x29: {  	[sflag:s5] =	ssyncadd.s32 $0xFFFFFF80  }
0x2a: {  	[tilespmem:s8], [sflag:$0x1] =	stream.linear.gather [hbm4b:s11+s2], $0x4000, $0x38;
	[tilespmem:$0x4880] =	vst v63  }
0x2b: {  	_ =	swait.ge [sflag:s5], $0x4000  }
0x2c: {  	[sflag:s5] =	ssyncset.done $0x0  }
0x2d: {  	[sflag:s5] =	ssyncadd.s32 $0xFFFFC000  }
0x2e: {  	[spmem:s1] =	stream.indirect.scatter.add.f32 [tilespmem:s8], [sflag:$0x1], $0x80, s2, s8, $0xb8;
	[tilespmem:$0x4880] =	vst v63  }
0x2f: {  	_ =	swait.ge [sflag:s5], $0x4000  }
0x30: {  	[sflag:s5] =	ssyncset.done $0x0  }
0x31: {  	[sflag:s5] =	ssyncadd.s32 $0xFFFFC000  }
0x32: {  	[tilespmem:s2], [sflag:$0x1] =	stream.linear.gather [hbm4b:s10+s2], $0x80, $0x38;
	[tilespmem:$0x4880] =	vst v63  }
0x33: {  	_ =	swait.ge [sflag:s5], $0x80  }
0x34: {  	[sflag:s5] =	ssyncset.done $0x0  }
0x35: {  	[sflag:s5] =	ssyncadd.s32 $0xFFFFFF80  }
0x36: {  	[tilespmem:s8], [sflag:$0x1] =	stream.linear.gather [hbm4b:s9+s2], $0x4000, $0x38;
	[tilespmem:$0x4880] =	vst v63  }
0x37: {  	_ =	swait.ge [sflag:s5], $0x4000  }
0x38: {  	[sflag:s5] =	ssyncset.done $0x0  }
0x39: {  	[sflag:s5] =	ssyncadd.s32 $0xFFFFC000  }
0x3a: {  	[spmem:s1] =	stream.indirect.scatter.add.f32 [tilespmem:s8], [sflag:$0x1], $0x80, s2, s8, $0xb8;
	[tilespmem:$0x4880] =	vst v63  }
0x3b: {  	_ =	swait.ge [sflag:s5], $0x4000  }
0x3c: {  	[sflag:s5] =	ssyncset.done $0x0  }
0x3d: {  	[sflag:s5] =	ssyncadd.s32 $0xFFFFC000  }
0x3e: {  	[tilespmem:s2], [sflag:$0x1] =	stream.linear.gather [hbm4b:s7+s2], $0x80, $0x38;
	[tilespmem:$0x4880] =	vst v63  }
0x3f: {  	_ =	swait.ge [sflag:s5], $0x80  }
0x40: {  	[sflag:s5] =	ssyncset.done $0x0  }
0x41: {  	[sflag:s5] =	ssyncadd.s32 $0xFFFFFF80  }
0x42: {  	[tilespmem:s8], [sflag:$0x1] =	stream.linear.gather [hbm4b:s6+s2], $0x4000, $0x38;
	[tilespmem:$0x4880] =	vst v63  }
0x43: {  	_ =	swait.ge [sflag:s5], $0x4000  }
0x44: {  	[sflag:s5] =	ssyncset.done $0x0  }
0x45: {  	[sflag:s5] =	ssyncadd.s32 $0xFFFFC000  }
0x46: {  	[spmem:s1] =	stream.indirect.scatter.add.f32 [tilespmem:s8], [sflag:$0x1], $0x80, s2, s8, $0xb8;
	[tilespmem:$0x4880] =	vst v63  }
0x47: {  	s18 =	sadd.s32 $0xFFFFFFFF, s18;
	_ =	swait.ge [sflag:s5], $0x4000  }
0x48: {  	p2 =	sne.s32 s18, $0x0;
	[sflag:s5] =	ssyncset.done $0x0  }
.Ltmp1:
0x49: {  	[sflag:s5] =	ssyncadd.s32 $0xFFFFC000;
	(pc) =	sbr.rel @!p2 .LBB2_3-.Ltmp1, $4  }
0x4a: {  	[bflag:$0x0] =	sbarrier.arrive $0xFFFF  }
0x4b: {  	[hbm:s3], [sflag:s17] =	dma.local @!p0 [spmem:s4], $0x1000  }
0x4c: {  	_ =	swait.ge @!p0 [sflag:s16], $0x1000  }
0x4d: {  	p1 =	por $0x1, $0x1;
	[sflag:s16] =	ssyncset.done @!p0 $0x0  }
.LBB2_2:
0x4e: {  	[sflag:s16] =	ssyncadd.s32 @!p0 $0xFFFFF000  }
0x4f: {  	[spmem:s4], [sflag:s17] =	dma.local @!p0 [hbm:s12], $0x1000  }
0x50: {  	s18 =	sadd.s32 $0xFFFFFFFF, s18;
	_ =	swait.ge @!p0 [sflag:s16], $0x1000  }
0x51: {  	p2 =	sne.s32 s18, $0x0;
	[sflag:s16] =	ssyncset.done @!p0 $0x0  }
0x52: {  	[sflag:s16] =	ssyncadd.s32 @!p0 $0xFFFFF000  }
0x53: {  	[bflag:$0x0] =	sbarrier.arrive $0xFFFF  }
0x54: {  	[tilespmem:s2], [sflag:$0x1] =	stream.linear.gather [hbm4b:s15+s2], $0x80, $0x38;
	[tilespmem:$0x4880] =	vst v63  }
0x55: {  	_ =	swait.ge [sflag:s5], $0x80  }
0x56: {  	[sflag:s5] =	ssyncset.done $0x0  }
0x57: {  	[sflag:s5] =	ssyncadd.s32 $0xFFFFFF80  }
0x58: {  	[tilespmem:s8], [sflag:$0x1] =	stream.linear.gather [hbm4b:s14+s2], $0x4000, $0x38;
	[tilespmem:$0x4880] =	vst v63  }
0x59: {  	_ =	swait.ge [sflag:s5], $0x4000  }
0x5a: {  	[sflag:s5] =	ssyncset.done $0x0  }
0x5b: {  	[sflag:s5] =	ssyncadd.s32 $0xFFFFC000  }
0x5c: {  	[spmem:s1] =	stream.indirect.scatter.add.f32 [tilespmem:s8], [sflag:$0x1], $0x80, s2, s8, $0xb8;
	[tilespmem:$0x4880] =	vst v63  }
0x5d: {  	_ =	swait.ge [sflag:s5], $0x4000  }
0x5e: {  	[sflag:s5] =	ssyncset.done $0x0  }
0x5f: {  	[sflag:s5] =	ssyncadd.s32 $0xFFFFC000  }
0x60: {  	[tilespmem:s2], [sflag:$0x1] =	stream.linear.gather [hbm4b:s13+s2], $0x80, $0x38;
	[tilespmem:$0x4880] =	vst v63  }
0x61: {  	_ =	swait.ge [sflag:s5], $0x80  }
0x62: {  	[sflag:s5] =	ssyncset.done $0x0  }
0x63: {  	[sflag:s5] =	ssyncadd.s32 $0xFFFFFF80  }
0x64: {  	[tilespmem:s8], [sflag:$0x1] =	stream.linear.gather [hbm4b:s11+s2], $0x4000, $0x38;
	[tilespmem:$0x4880] =	vst v63  }
0x65: {  	_ =	swait.ge [sflag:s5], $0x4000  }
0x66: {  	[sflag:s5] =	ssyncset.done $0x0  }
0x67: {  	[sflag:s5] =	ssyncadd.s32 $0xFFFFC000  }
0x68: {  	[spmem:s1] =	stream.indirect.scatter.add.f32 [tilespmem:s8], [sflag:$0x1], $0x80, s2, s8, $0xb8;
	[tilespmem:$0x4880] =	vst v63  }
0x69: {  	_ =	swait.ge [sflag:s5], $0x4000  }
0x6a: {  	[sflag:s5] =	ssyncset.done $0x0  }
0x6b: {  	[sflag:s5] =	ssyncadd.s32 $0xFFFFC000  }
0x6c: {  	[tilespmem:s2], [sflag:$0x1] =	stream.linear.gather [hbm4b:s10+s2], $0x80, $0x38;
	[tilespmem:$0x4880] =	vst v63  }
0x6d: {  	_ =	swait.ge [sflag:s5], $0x80  }
0x6e: {  	[sflag:s5] =	ssyncset.done $0x0  }
0x6f: {  	[sflag:s5] =	ssyncadd.s32 $0xFFFFFF80  }
0x70: {  	[tilespmem:s8], [sflag:$0x1] =	stream.linear.gather [hbm4b:s9+s2], $0x4000, $0x38;
	[tilespmem:$0x4880] =	vst v63  }
0x71: {  	_ =	swait.ge [sflag:s5], $0x4000  }
0x72: {  	[sflag:s5] =	ssyncset.done $0x0  }
0x73: {  	[sflag:s5] =	ssyncadd.s32 $0xFFFFC000  }
0x74: {  	[spmem:s1] =	stream.indirect.scatter.add.f32 [tilespmem:s8], [sflag:$0x1], $0x80, s2, s8, $0xb8;
	[tilespmem:$0x4880] =	vst v63  }
0x75: {  	_ =	swait.ge [sflag:s5], $0x4000  }
0x76: {  	[sflag:s5] =	ssyncset.done $0x0  }
0x77: {  	[sflag:s5] =	ssyncadd.s32 $0xFFFFC000  }
0x78: {  	[tilespmem:s2], [sflag:$0x1] =	stream.linear.gather [hbm4b:s7+s2], $0x80, $0x38;
	[tilespmem:$0x4880] =	vst v63  }
0x79: {  	_ =	swait.ge [sflag:s5], $0x80  }
0x7a: {  	[sflag:s5] =	ssyncset.done $0x0  }
0x7b: {  	[sflag:s5] =	ssyncadd.s32 $0xFFFFFF80  }
0x7c: {  	[tilespmem:s8], [sflag:$0x1] =	stream.linear.gather [hbm4b:s6+s2], $0x4000, $0x38;
	[tilespmem:$0x4880] =	vst v63  }
0x7d: {  	_ =	swait.ge [sflag:s5], $0x4000  }
0x7e: {  	[sflag:s5] =	ssyncset.done $0x0  }
0x7f: {  	[sflag:s5] =	ssyncadd.s32 $0xFFFFC000  }
0x80: {  	[spmem:s1] =	stream.indirect.scatter.add.f32 [tilespmem:s8], [sflag:$0x1], $0x80, s2, s8, $0xb8;
	[tilespmem:$0x4880] =	vst v63  }
0x81: {  	_ =	swait.ge [sflag:s5], $0x4000  }
0x82: {  	[sflag:s5] =	ssyncset.done $0x0  }
.Ltmp2:
0x83: {  	[sflag:s5] =	ssyncadd.s32 $0xFFFFC000;
	(pc) =	sbr.rel @p2 .LBB2_2-.Ltmp2, $4  }
0x84: {  	[bflag:$0x0] =	sbarrier.arrive $0xFFFF  }
0x85: {  	[hbm:s3], [sflag:s17] =	dma.local @!p0 [spmem:s4], $0x1000  }
0x86: {  	_ =	swait.ge @!p0 [sflag:s16], $0x1000  }
0x87: {  	[sflag:s16] =	ssyncset.done @!p0 $0x0  }
.LBB2_3:
0x88: {  	p1 =	por p0, !p1  }
0x89: {  	s17 =	simm.s32 @!p0 $0x1C01;
	s18 =	simm.s32 @!p0 $0x1;
	[sflag:s16] =	ssyncadd.s32 @!p1 $0xFFFFF000  }
0x8a: {  	[spmem:s4], [sflag:s17] =	dma.local @!p0 [hbm:s12], $0x1000  }
0x8b: {  	_ =	swait.ge @!p0 [sflag:s18], $0x1000  }
0x8c: {  	[sflag:s18] =	ssyncset.done @!p0 $0x0  }
0x8d: {  	[sflag:s18] =	ssyncadd.s32 @!p0 $0xFFFFF000  }
0x8e: {  	[bflag:$0x0] =	sbarrier.arrive $0xFFFF  }
0x8f: {  	[tilespmem:s2], [sflag:$0x1] =	stream.linear.gather [hbm4b:s15+s2], $0x80, $0x38;
	[tilespmem:$0x4880] =	vst v63  }
0x90: {  	_ =	swait.ge [sflag:s5], $0x80  }
0x91: {  	[sflag:s5] =	ssyncset.done $0x0  }
0x92: {  	[sflag:s5] =	ssyncadd.s32 $0xFFFFFF80  }
0x93: {  	[tilespmem:s8], [sflag:$0x1] =	stream.linear.gather [hbm4b:s14+s2], $0x4000, $0x38;
	[tilespmem:$0x4880] =	vst v63  }
0x94: {  	_ =	swait.ge [sflag:s5], $0x4000  }
0x95: {  	[sflag:s5] =	ssyncset.done $0x0  }
0x96: {  	[sflag:s5] =	ssyncadd.s32 $0xFFFFC000  }
0x97: {  	[spmem:s1] =	stream.indirect.scatter.add.f32 [tilespmem:s8], [sflag:$0x1], $0x80, s2, s8, $0xb8;
	[tilespmem:$0x4880] =	vst v63  }
0x98: {  	_ =	swait.ge [sflag:s5], $0x4000  }
0x99: {  	[sflag:s5] =	ssyncset.done $0x0  }
0x9a: {  	[sflag:s5] =	ssyncadd.s32 $0xFFFFC000  }
0x9b: {  	[tilespmem:s2], [sflag:$0x1] =	stream.linear.gather [hbm4b:s13+s2], $0x80, $0x38;
	[tilespmem:$0x4880] =	vst v63  }
0x9c: {  	_ =	swait.ge [sflag:s5], $0x80  }
0x9d: {  	[sflag:s5] =	ssyncset.done $0x0  }
0x9e: {  	[sflag:s5] =	ssyncadd.s32 $0xFFFFFF80  }
0x9f: {  	[tilespmem:s8], [sflag:$0x1] =	stream.linear.gather [hbm4b:s11+s2], $0x4000, $0x38;
	[tilespmem:$0x4880] =	vst v63  }
0xa0: {  	_ =	swait.ge [sflag:s5], $0x4000  }
0xa1: {  	[sflag:s5] =	ssyncset.done $0x0  }
0xa2: {  	[sflag:s5] =	ssyncadd.s32 $0xFFFFC000  }
0xa3: {  	[spmem:s1] =	stream.indirect.scatter.add.f32 [tilespmem:s8], [sflag:$0x1], $0x80, s2, s8, $0xb8;
	[tilespmem:$0x4880] =	vst v63  }
0xa4: {  	_ =	swait.ge [sflag:s5], $0x4000  }
0xa5: {  	[sflag:s5] =	ssyncset.done $0x0  }
0xa6: {  	[sflag:s5] =	ssyncadd.s32 $0xFFFFC000  }
0xa7: {  	[tilespmem:s2], [sflag:$0x1] =	stream.linear.gather [hbm4b:s10+s2], $0x80, $0x38;
	[tilespmem:$0x4880] =	vst v63  }
0xa8: {  	_ =	swait.ge [sflag:s5], $0x80  }
0xa9: {  	[sflag:s5] =	ssyncset.done $0x0  }
0xaa: {  	[sflag:s5] =	ssyncadd.s32 $0xFFFFFF80  }
0xab: {  	[tilespmem:s8], [sflag:$0x1] =	stream.linear.gather [hbm4b:s9+s2], $0x4000, $0x38;
	[tilespmem:$0x4880] =	vst v63  }
0xac: {  	_ =	swait.ge [sflag:s5], $0x4000  }
0xad: {  	[sflag:s5] =	ssyncset.done $0x0  }
0xae: {  	[sflag:s5] =	ssyncadd.s32 $0xFFFFC000  }
0xaf: {  	[spmem:s1] =	stream.indirect.scatter.add.f32 [tilespmem:s8], [sflag:$0x1], $0x80, s2, s8, $0xb8;
	[tilespmem:$0x4880] =	vst v63  }
0xb0: {  	_ =	swait.ge [sflag:s5], $0x4000  }
0xb1: {  	[sflag:s5] =	ssyncset.done $0x0  }
0xb2: {  	[sflag:s5] =	ssyncadd.s32 $0xFFFFC000  }
0xb3: {  	[tilespmem:s2], [sflag:$0x1] =	stream.linear.gather [hbm4b:s7+s2], $0x80, $0x38;
	[tilespmem:$0x4880] =	vst v63  }
0xb4: {  	_ =	swait.ge [sflag:s5], $0x80  }
0xb5: {  	[sflag:s5] =	ssyncset.done $0x0  }
0xb6: {  	[sflag:s5] =	ssyncadd.s32 $0xFFFFFF80  }
0xb7: {  	[tilespmem:s8], [sflag:$0x1] =	stream.linear.gather [hbm4b:s6+s2], $0x4000, $0x38;
	[tilespmem:$0x4880] =	vst v63  }
0xb8: {  	_ =	swait.ge [sflag:s5], $0x4000  }
0xb9: {  	[sflag:s5] =	ssyncset.done $0x0  }
0xba: {  	[sflag:s5] =	ssyncadd.s32 $0xFFFFC000  }
0xbb: {  	[spmem:s1] =	stream.indirect.scatter.add.f32 [tilespmem:s8], [sflag:$0x1], $0x80, s2, s8, $0xb8;
	[tilespmem:$0x4880] =	vst v63  }
0xbc: {  	_ =	swait.ge [sflag:s5], $0x4000  }
0xbd: {  	[sflag:s5] =	ssyncset.done $0x0  }
0xbe: {  	[sflag:s5] =	ssyncadd.s32 $0xFFFFC000  }
0xbf: {  	[bflag:$0x0] =	sbarrier.arrive $0xFFFF  }
0xc0: {  	[hbm:s3], [sflag:s17] =	dma.local @!p0 [spmem:s4], $0x1000  }
0xc1: {  	_ =	swait.ge @!p0 [sflag:s18], $0x1000  }
0xc2: {  	[sflag:s18] =	ssyncset.done @!p0 $0x0  }
0xc3: {  	[sflag:s18] =	ssyncadd.s32 @!p0 $0xFFFFF000  }
0xc4: {  	_ =	sfence.sel $0x180000  }
0xc5: {  	[bflag:$0x0] =	sbarrier.arrive $0xFFFF  }
0xc6: {  	_ =	strace $0x90000047  }
0xc7: {  	s0 =	sadd.s32 @!p0 $0x100000, s0;
	[bflag:$0x2] =	sbarrier.arrive $0xFFFF  }
0xc8: {  	[sflag:s0] =	ssyncadd.tile.s32 @!p0 $0x1;
	_ =	shalt  }
.Lfunc_end2:
_tile_overlayer_lowered:
.L_overlay_start_2:
0xc9: {  	(tag) =	ssettag $0x2  }
0xca: {  	s0 =	rddreg [dreg:$0x0];
	s2 =	stileid.u32  }
0xcb: {  	s1 =	rddreg [dreg:$0x1];
	p0 =	sne.s32 s2, $0x0  }
0xcc: {  	s3 =	rddreg [dreg:$0x2];
	[bflag:$0x3] =	sbarrier.arrive $0xFFFF;
	s2 =	simm.s32 @!p0 $0x1C01  }
0xcd: {  	[timem:s3], [sflag:s2] =	dma.local @!p0 [hbm:s0], s1  }
0xce: {  	s0 =	simm.s32 @!p0 $0x1  }
0xcf: {  	_ =	swait.ge @!p0 [sflag:s0], s1  }
0xd0: {  	s1 =	ssub.s32 @!p0 $0x0, s1;
	[sflag:s0] =	ssyncset.done @!p0 $0x0  }
0xd1: {  	[sflag:s0] =	ssyncadd.s32 @!p0 s1  }
0xd2: {  	[bflag:$0x3] =	sbarrier.arrive $0xFFFF  }
0xd3: {  	_ =	shalt  }

</sc_bundles>
